<compile_context>
chip_gen: v7x
topology: tpu7x:2x2x1
jax: 0.10.2.dev20260603
libtpu: 0.0.44.dev20260713+nightly
codegen_flags: <defaults>
</compile_context>

<pallas_src>
import jax
import jax.numpy as jnp
from jax.experimental import pallas as pl
from jax.experimental.pallas import tpu as pltpu

BATCH = 2048
N_ENT = 1024
D_DIM = 32
P_SENT = 1024
G = 4
NR = N_ENT // G
LN = G * D_DIM
RB = 8
_EPS = 1e-12


def _norm_body(h_ref, e_ref, w4_ref, seg_ref, out_ref, ew_ref):
    @pl.when(pl.program_id(0) == 0)
    def _():
        ew_ref[...] = jnp.dot(e_ref[...], w4_ref[...],
                              preferred_element_type=jnp.float32)

    seg = seg_ref[...]
    for r in range(RB):
        x = h_ref[r]
        ss = jnp.dot(x * x, seg, preferred_element_type=jnp.float32)
        out_ref[r] = x * jax.lax.rsqrt(jnp.maximum(ss, _EPS))


def _update_body(sidx_ref, perm_ref, e_ref, ew_ref, u_ref, v_ref, seg_ref,
                 h_ref, k_ref, bout_ref, out_ref):
    del perm_ref, bout_ref
    j = pl.program_id(0)
    b = sidx_ref[j]
    jm1 = jnp.maximum(j - 1, 0)
    is_new = jnp.logical_or(j == 0, sidx_ref[jm1] != b)
    is_last = sidx_ref[j + 1] != b

    h = h_ref[0]
    k = k_ref[0]
    e = e_ref[0]
    ew = ew_ref[0]
    seg = seg_ref[...]

    gate = jax.nn.sigmoid(
        jnp.dot((h + k) * e, seg, preferred_element_type=jnp.float32))
    cand = jnp.maximum(
        jnp.dot(h, u_ref[...], preferred_element_type=jnp.float32)
        + jnp.dot(k, v_ref[...], preferred_element_type=jnp.float32)
        + ew, 0.0)
    upd = gate * cand

    @pl.when(is_new)
    def _():
        out_ref[0] = h + upd

    @pl.when(jnp.logical_not(is_new))
    def _():
        out_ref[0] = out_ref[0] + upd

    @pl.when(is_last)
    def _():
        x = out_ref[0]
        ss = jnp.dot(x * x, seg, preferred_element_type=jnp.float32)
        out_ref[0] = x * jax.lax.rsqrt(jnp.maximum(ss, _EPS))


def kernel(encoded_sents, indices, hiddens, keys, U, V, W):
    f32 = jnp.float32
    H4 = hiddens.reshape(BATCH, NR, LN)
    K4 = keys.reshape(BATCH, NR, LN)
    E4 = jnp.tile(encoded_sents, (1, G))
    eye = jnp.eye(G, dtype=f32)
    U4 = jnp.kron(eye, U)
    V4 = jnp.kron(eye, V)
    W4 = jnp.kron(eye, W)
    SEG = jnp.kron(eye, jnp.ones((D_DIM, D_DIM), f32))

    perm = jnp.argsort(indices).astype(jnp.int32)
    sidx = jnp.take(indices, perm)
    sidx_pad = jnp.concatenate([sidx, jnp.full((1,), -1, jnp.int32)])

    bout, ew_tab = pl.pallas_call(
        _norm_body,
        grid=(BATCH // RB,),
        in_specs=[
            pl.BlockSpec((RB, NR, LN), lambda i: (i, 0, 0)),
            pl.BlockSpec((P_SENT, LN), lambda i: (0, 0)),
            pl.BlockSpec((LN, LN), lambda i: (0, 0)),
            pl.BlockSpec((LN, LN), lambda i: (0, 0)),
        ],
        out_specs=[
            pl.BlockSpec((RB, NR, LN), lambda i: (i, 0, 0)),
            pl.BlockSpec((P_SENT, LN), lambda i: (0, 0)),
        ],
        out_shape=[
            jax.ShapeDtypeStruct((BATCH, NR, LN), f32),
            jax.ShapeDtypeStruct((P_SENT, LN), f32),
        ],
        compiler_params=pltpu.CompilerParams(
            dimension_semantics=("arbitrary",)),
    )(H4, E4, W4, SEG)

    E4r = E4.reshape(P_SENT, 1, LN)
    EWr = ew_tab.reshape(P_SENT, 1, LN)

    grid_spec = pltpu.PrefetchScalarGridSpec(
        num_scalar_prefetch=2,
        grid=(P_SENT,),
        in_specs=[
            pl.BlockSpec((1, 1, LN), lambda j, sidx, perm: (perm[j], 0, 0)),
            pl.BlockSpec((1, 1, LN), lambda j, sidx, perm: (perm[j], 0, 0)),
            pl.BlockSpec((LN, LN), lambda j, *_: (0, 0)),
            pl.BlockSpec((LN, LN), lambda j, *_: (0, 0)),
            pl.BlockSpec((LN, LN), lambda j, *_: (0, 0)),
            pl.BlockSpec((1, NR, LN), lambda j, sidx, perm: (sidx[j], 0, 0)),
            pl.BlockSpec((1, NR, LN), lambda j, sidx, perm: (sidx[j], 0, 0)),
            pl.BlockSpec(memory_space=pl.ANY),
        ],
        out_specs=pl.BlockSpec((1, NR, LN), lambda j, sidx, perm: (sidx[j], 0, 0)),
    )
    out = pl.pallas_call(
        _update_body,
        grid_spec=grid_spec,
        out_shape=jax.ShapeDtypeStruct((BATCH, NR, LN), f32),
        input_output_aliases={9: 0},
        compiler_params=pltpu.CompilerParams(
            dimension_semantics=("arbitrary",)),
    )(sidx_pad, perm, E4r, EWr, U4, V4, SEG, H4, K4, bout)

    return out.reshape(BATCH, N_ENT, D_DIM)

# --- scband reference (transcript-rebuilt; emitter-appended) ---
"""Pipeline reference for scband-update-entity-50689204027759 (READ-ONLY COPY).

The authoritative reference and input builder live on the scoring server;
editing this copy changes nothing except your own understanding.
"""

import jax, jax.numpy as jnp
import numpy as np

BATCH = 2048
ENTITY_NUM = 1024
D = 32
P = 1024


def setup_inputs(seed: int = 0) -> dict:
    key = jax.random.key(seed)
    ks = jax.random.split(key, 7)
    return {
        "encoded_sents": jax.random.normal(ks[0], (P, D), dtype=jnp.float32),
        "indices": jax.random.randint(ks[1], (P,), 0, BATCH, dtype=jnp.int32),
        "hiddens": jax.random.normal(ks[2], (BATCH, ENTITY_NUM, D), dtype=jnp.float32),
        "keys": jax.random.normal(ks[3], (BATCH, ENTITY_NUM, D), dtype=jnp.float32),
        "U": jax.random.normal(ks[4], (D, D), dtype=jnp.float32) * 0.1,
        "V": jax.random.normal(ks[5], (D, D), dtype=jnp.float32) * 0.1,
        "W": jax.random.normal(ks[6], (D, D), dtype=jnp.float32) * 0.1,
    }


def _l2_normalize(x, axis, eps=1e-12):
    ss = jnp.sum(jnp.square(x), axis=axis, keepdims=True)
    return x * jax.lax.rsqrt(jnp.maximum(ss, eps))


def reference(encoded_sents, indices, hiddens, keys, U, V, W):
    # gather current paragraph states (tf.gather on axis 0)
    current_hiddens = jnp.take(hiddens, indices, axis=0)  # [P, N, D]
    current_keys = jnp.take(keys, indices, axis=0)        # [P, N, D]
    # tile encoded sents across entity slots (tf.tile equivalent via broadcast)
    e = encoded_sents[:, None, :]                          # [P, 1, D]
    e_t = jnp.broadcast_to(e, current_hiddens.shape)       # [P, N, D]
    # gate g_i = sigmoid(sum_d e*h + e*k)
    gates = jax.nn.sigmoid(jnp.sum(e_t * current_hiddens + e_t * current_keys, axis=2))  # [P, N]
    # candidate state h_tilda = relu(h U + k V + e W)
    h_tilda = jax.nn.relu(
        jnp.matmul(current_hiddens, U)
        + jnp.matmul(current_keys, V)
        + jnp.matmul(e_t, W)
    )  # [P, N, D]
    update = gates[:, :, None] * h_tilda                   # [P, N, D]
    # hiddens = hiddens + scatter_nd(indices, update) -> scatter-add into rows
    new_hiddens = hiddens.at[indices].add(update)
    # l2 normalize along embedding dim (tf.math.l2_normalize axis=2)
    new_hiddens = _l2_normalize(new_hiddens, axis=2)
    return new_hiddens

if __name__ == "__main__":
    import jax
    _d = setup_inputs()
    print(jax.jit(kernel)(*tuple(_d.values())))

</pallas_src>

<mosaic_0001>
module attributes {stable_mosaic.version = 14 : i64} {
  func.func @_update_body(%arg0: i32, %arg1: memref<1025xi32, #tpu.memory_space<smem>>, %arg2: memref<1024xi32, #tpu.memory_space<smem>>, %arg3: memref<1x1x128xf32, #tpu.memory_space<vmem>>, %arg4: memref<1x1x128xf32, #tpu.memory_space<vmem>>, %arg5: memref<128x128xf32, #tpu.memory_space<vmem>>, %arg6: memref<128x128xf32, #tpu.memory_space<vmem>>, %arg7: memref<128x128xf32, #tpu.memory_space<vmem>>, %arg8: memref<1x256x128xf32, #tpu.memory_space<vmem>>, %arg9: memref<1x256x128xf32, #tpu.memory_space<vmem>>, %arg10: memref<2048x256x128xf32, #tpu.memory_space<any>>, %arg11: memref<1x256x128xf32, #tpu.memory_space<vmem>>) attributes {dimension_semantics = [#tpu.dimension_semantics<arbitrary>], iteration_bounds = array<i64: 1024>, scalar_prefetch = 2 : i64, scratch_operands = 0 : i64, tpu.core_type = #tpu.core_type<tc>, window_params = [{transform_indices = @transform_0, window_bounds = array<i64: 1, 1, 128>}, {transform_indices = @transform_1, window_bounds = array<i64: 1, 1, 128>}, {pipeline_mode = #tpu.pipeline_mode<synchronous>, transform_indices = @transform_2, window_bounds = array<i64: 128, 128>}, {pipeline_mode = #tpu.pipeline_mode<synchronous>, transform_indices = @transform_3, window_bounds = array<i64: 128, 128>}, {pipeline_mode = #tpu.pipeline_mode<synchronous>, transform_indices = @transform_4, window_bounds = array<i64: 128, 128>}, {transform_indices = @transform_5, window_bounds = array<i64: 1, 256, 128>}, {transform_indices = @transform_6, window_bounds = array<i64: 1, 256, 128>}, {}, {transform_indices = @transform_8, window_bounds = array<i64: 1, 256, 128>}]} {
    %get3A = arith.index_cast %arg0 : i32 to index
    %get3A_0 = memref.load %arg1[%get3A] : memref<1025xi32, #tpu.memory_space<smem>>
    %sub3A = arith.constant 1 : i32
    %sub3A_1 = arith.subi %arg0, %sub3A : i32
    %max3A = arith.constant 0 : i32
    %max3A_2 = arith.maxsi %sub3A_1, %max3A : i32
    %eq3A = arith.constant 0 : i32
    %eq3A_3 = arith.cmpi eq, %arg0, %eq3A : i32
    %get3A_4 = arith.index_cast %max3A_2 : i32 to index
    %get3A_5 = memref.load %arg1[%get3A_4] : memref<1025xi32, #tpu.memory_space<smem>>
    %ne3A = arith.cmpi ne, %get3A_5, %get3A_0 : i32
    %or3A = arith.ori %eq3A_3, %ne3A : i1
    %add3A = arith.constant 1 : i32
    %add3A_6 = arith.addi %arg0, %add3A : i32
    %get3A_7 = arith.index_cast %add3A_6 : i32 to index
    %get3A_8 = memref.load %arg1[%get3A_7] : memref<1025xi32, #tpu.memory_space<smem>>
    %ne3A_9 = arith.cmpi ne, %get3A_8, %get3A_0 : i32
    %get3A_10 = arith.constant 0 : index
    %get3A_11 = arith.constant 0 : index
    %get3A_12 = arith.constant 0 : index
    %get3A_13 = vector.load %arg8[%get3A_10, %get3A_11, %get3A_12] : memref<1x256x128xf32, #tpu.memory_space<vmem>>, vector<1x256x128xf32>
    %get3A_14 = vector.shape_cast %get3A_13 : vector<1x256x128xf32> to vector<256x128xf32>
    %get3A_15 = arith.constant 0 : index
    %get3A_16 = arith.constant 0 : index
    %get3A_17 = arith.constant 0 : index
    %get3A_18 = vector.load %arg9[%get3A_15, %get3A_16, %get3A_17] : memref<1x256x128xf32, #tpu.memory_space<vmem>>, vector<1x256x128xf32>
    %get3A_19 = vector.shape_cast %get3A_18 : vector<1x256x128xf32> to vector<256x128xf32>
    %get3A_20 = arith.constant 0 : index
    %get3A_21 = arith.constant 0 : index
    %get3A_22 = arith.constant 0 : index
    %get3A_23 = vector.load %arg3[%get3A_20, %get3A_21, %get3A_22] : memref<1x1x128xf32, #tpu.memory_space<vmem>>, vector<1x1x128xf32>
    %get3A_24 = vector.shape_cast %get3A_23 : vector<1x1x128xf32> to vector<1x128xf32>
    %get3A_25 = arith.constant 0 : index
    %get3A_26 = arith.constant 0 : index
    %get3A_27 = arith.constant 0 : index
    %get3A_28 = vector.load %arg4[%get3A_25, %get3A_26, %get3A_27] : memref<1x1x128xf32, #tpu.memory_space<vmem>>, vector<1x1x128xf32>
    %get3A_29 = vector.shape_cast %get3A_28 : vector<1x1x128xf32> to vector<1x128xf32>
    %get3A_30 = arith.constant 0 : index
    %get3A_31 = arith.constant 0 : index
    %get3A_32 = vector.load %arg7[%get3A_30, %get3A_31] : memref<128x128xf32, #tpu.memory_space<vmem>>, vector<128x128xf32>
    %add3A_33 = arith.addf %get3A_14, %get3A_19 : vector<256x128xf32>
    %mul3A = vector.broadcast %get3A_24 : vector<1x128xf32> to vector<256x128xf32>
    %mul3A_34 = arith.mulf %add3A_33, %mul3A : vector<256x128xf32>
    %dot_general3A = arith.constant dense<0.000000e+00> : vector<256x128xf32>
    %dot_general3A_35 = tpu.matmul %mul3A_34, %get3A_32, %dot_general3A {dimension_numbers = #tpu.dot_dimension_numbers<[1], [0], [0], [1], [0, 0, 1, 1], [], []>, transpose_lhs_hint = false} : vector<256x128xf32>, vector<128x128xf32>, vector<256x128xf32> -> vector<256x128xf32>
    %logistic3A = arith.negf %dot_general3A_35 : vector<256x128xf32>
    %logistic3A_36 = math.exp %logistic3A : vector<256x128xf32>
    %logistic3A_37 = arith.constant 1.000000e+00 : f32
    %logistic3A_38 = vector.broadcast %logistic3A_37 : f32 to vector<256x128xf32>
    %logistic3A_39 = arith.addf %logistic3A_38, %logistic3A_36 : vector<256x128xf32>
    %logistic3A_40 = arith.divf %logistic3A_38, %logistic3A_39 : vector<256x128xf32>
    %get3A_41 = arith.constant 0 : index
    %get3A_42 = arith.constant 0 : index
    %get3A_43 = vector.load %arg5[%get3A_41, %get3A_42] : memref<128x128xf32, #tpu.memory_space<vmem>>, vector<128x128xf32>
    %dot_general3A_44 = arith.constant dense<0.000000e+00> : vector<256x128xf32>
    %dot_general3A_45 = tpu.matmul %get3A_14, %get3A_43, %dot_general3A_44 {dimension_numbers = #tpu.dot_dimension_numbers<[1], [0], [0], [1], [0, 0, 1, 1], [], []>, transpose_lhs_hint = false} : vector<256x128xf32>, vector<128x128xf32>, vector<256x128xf32> -> vector<256x128xf32>
    %get3A_46 = arith.constant 0 : index
    %get3A_47 = arith.constant 0 : index
    %get3A_48 = vector.load %arg6[%get3A_46, %get3A_47] : memref<128x128xf32, #tpu.memory_space<vmem>>, vector<128x128xf32>
    %dot_general3A_49 = arith.constant dense<0.000000e+00> : vector<256x128xf32>
    %dot_general3A_50 = tpu.matmul %get3A_19, %get3A_48, %dot_general3A_49 {dimension_numbers = #tpu.dot_dimension_numbers<[1], [0], [0], [1], [0, 0, 1, 1], [], []>, transpose_lhs_hint = false} : vector<256x128xf32>, vector<128x128xf32>, vector<256x128xf32> -> vector<256x128xf32>
    %add3A_51 = arith.addf %dot_general3A_45, %dot_general3A_50 : vector<256x128xf32>
    %add3A_52 = vector.broadcast %get3A_29 : vector<1x128xf32> to vector<256x128xf32>
    %add3A_53 = arith.addf %add3A_51, %add3A_52 : vector<256x128xf32>
    %max3A_54 = arith.constant 0.000000e+00 : f32
    %max3A_55 = vector.broadcast %max3A_54 : f32 to vector<256x128xf32>
    %max3A_56 = arith.maximumf %add3A_53, %max3A_55 : vector<256x128xf32>
    %mul3A_57 = arith.mulf %logistic3A_40, %max3A_56 : vector<256x128xf32>
    %convert_element_type3A = arith.extui %or3A : i1 to i32
    %cond3A = arith.constant 0 : i32
    %cond3A_58 = arith.cmpi ne, %convert_element_type3A, %cond3A : i32
    scf.if %cond3A_58 {
      %add3A_66 = arith.addf %get3A_14, %mul3A_57 : vector<256x128xf32>
      %swap3A = arith.constant 0 : index
      %swap3A_67 = arith.constant 0 : index
      %swap3A_68 = arith.constant 0 : index
      %swap3A_69 = vector.load %arg11[%swap3A, %swap3A_67, %swap3A_68] : memref<1x256x128xf32, #tpu.memory_space<vmem>>, vector<1x256x128xf32>
      %swap3A_70 = vector.shape_cast %swap3A_69 : vector<1x256x128xf32> to vector<256x128xf32>
      %swap3A_71 = vector.shape_cast %add3A_66 : vector<256x128xf32> to vector<1x256x128xf32>
      tpu.vector_store %arg11[%swap3A, %swap3A_67, %swap3A_68], %swap3A_71 {strides = array<i32>} : memref<1x256x128xf32, #tpu.memory_space<vmem>>, vector<1x256x128xf32>,
    } else {
    }
    %not3A = arith.constant true
    %not3A_59 = arith.xori %or3A, %not3A : i1
    %convert_element_type3A_60 = arith.extui %not3A_59 : i1 to i32
    %cond3A_61 = arith.constant 0 : i32
    %cond3A_62 = arith.cmpi ne, %convert_element_type3A_60, %cond3A_61 : i32
    scf.if %cond3A_62 {
      %get3A_66 = arith.constant 0 : index
      %get3A_67 = arith.constant 0 : index
      %get3A_68 = arith.constant 0 : index
      %get3A_69 = vector.load %arg11[%get3A_66, %get3A_67, %get3A_68] : memref<1x256x128xf32, #tpu.memory_space<vmem>>, vector<1x256x128xf32>
      %get3A_70 = vector.shape_cast %get3A_69 : vector<1x256x128xf32> to vector<256x128xf32>
      %add3A_71 = arith.addf %get3A_70, %mul3A_57 : vector<256x128xf32>
      %swap3A = arith.constant 0 : index
      %swap3A_72 = arith.constant 0 : index
      %swap3A_73 = arith.constant 0 : index
      %swap3A_74 = vector.load %arg11[%swap3A, %swap3A_72, %swap3A_73] : memref<1x256x128xf32, #tpu.memory_space<vmem>>, vector<1x256x128xf32>
      %swap3A_75 = vector.shape_cast %swap3A_74 : vector<1x256x128xf32> to vector<256x128xf32>
      %swap3A_76 = vector.shape_cast %add3A_71 : vector<256x128xf32> to vector<1x256x128xf32>
      tpu.vector_store %arg11[%swap3A, %swap3A_72, %swap3A_73], %swap3A_76 {strides = array<i32>} : memref<1x256x128xf32, #tpu.memory_space<vmem>>, vector<1x256x128xf32>,
    } else {
    }
    %convert_element_type3A_63 = arith.extui %ne3A_9 : i1 to i32
    %cond3A_64 = arith.constant 0 : i32
    %cond3A_65 = arith.cmpi ne, %convert_element_type3A_63, %cond3A_64 : i32
    scf.if %cond3A_65 {
      %get3A_66 = arith.constant 0 : index
      %get3A_67 = arith.constant 0 : index
      %get3A_68 = arith.constant 0 : index
      %get3A_69 = vector.load %arg11[%get3A_66, %get3A_67, %get3A_68] : memref<1x256x128xf32, #tpu.memory_space<vmem>>, vector<1x256x128xf32>
      %get3A_70 = vector.shape_cast %get3A_69 : vector<1x256x128xf32> to vector<256x128xf32>
      %mul3A_71 = arith.mulf %get3A_70, %get3A_70 : vector<256x128xf32>
      %dot_general3A_72 = arith.constant dense<0.000000e+00> : vector<256x128xf32>
      %dot_general3A_73 = tpu.matmul %mul3A_71, %get3A_32, %dot_general3A_72 {dimension_numbers = #tpu.dot_dimension_numbers<[1], [0], [0], [1], [0, 0, 1, 1], [], []>, transpose_lhs_hint = false} : vector<256x128xf32>, vector<128x128xf32>, vector<256x128xf32> -> vector<256x128xf32>
      %max3A_74 = arith.constant 9.99999996E-13 : f32
      %max3A_75 = vector.broadcast %max3A_74 : f32 to vector<256x128xf32>
      %max3A_76 = arith.maximumf %dot_general3A_73, %max3A_75 : vector<256x128xf32>
      %rsqrt3A = math.rsqrt %max3A_76 : vector<256x128xf32>
      %mul3A_77 = arith.mulf %get3A_70, %rsqrt3A : vector<256x128xf32>
      %swap3A = arith.constant 0 : index
      %swap3A_78 = arith.constant 0 : index
      %swap3A_79 = arith.constant 0 : index
      %swap3A_80 = vector.load %arg11[%swap3A, %swap3A_78, %swap3A_79] : memref<1x256x128xf32, #tpu.memory_space<vmem>>, vector<1x256x128xf32>
      %swap3A_81 = vector.shape_cast %swap3A_80 : vector<1x256x128xf32> to vector<256x128xf32>
      %swap3A_82 = vector.shape_cast %mul3A_77 : vector<256x128xf32> to vector<1x256x128xf32>
      tpu.vector_store %arg11[%swap3A, %swap3A_78, %swap3A_79], %swap3A_82 {strides = array<i32>} : memref<1x256x128xf32, #tpu.memory_space<vmem>>, vector<1x256x128xf32>,
    } else {
    }
    return
  }
  func.func @transform_0(%arg0: i32, %arg1: memref<1025xi32, #tpu.memory_space<smem>>, %arg2: memref<1024xi32, #tpu.memory_space<smem>>) -> (i32, i32, i32) {
    %get3A = arith.index_cast %arg0 : i32 to index
    %get3A_0 = memref.load %arg2[%get3A] : memref<1024xi32, #tpu.memory_space<smem>>
    %c0_i32 = arith.constant 0 : i32
    %c0_i32_1 = arith.constant 0 : i32
    %c0_i32_2 = arith.constant 0 : i32
    return %get3A_0, %c0_i32, %c0_i32_1 : i32, i32, i32
  }
  func.func @transform_1(%arg0: i32, %arg1: memref<1025xi32, #tpu.memory_space<smem>>, %arg2: memref<1024xi32, #tpu.memory_space<smem>>) -> (i32, i32, i32) {
    %get3A = arith.index_cast %arg0 : i32 to index
    %get3A_0 = memref.load %arg2[%get3A] : memref<1024xi32, #tpu.memory_space<smem>>
    %c0_i32 = arith.constant 0 : i32
    %c0_i32_1 = arith.constant 0 : i32
    %c0_i32_2 = arith.constant 0 : i32
    return %get3A_0, %c0_i32, %c0_i32_1 : i32, i32, i32
  }
  func.func @transform_2(%arg0: i32, %arg1: memref<1025xi32, #tpu.memory_space<smem>>, %arg2: memref<1024xi32, #tpu.memory_space<smem>>) -> (i32, i32) {
    %c0_i32 = arith.constant 0 : i32
    %c0_i32_0 = arith.constant 0 : i32
    %c0_i32_1 = arith.constant 0 : i32
    return %c0_i32, %c0_i32_0 : i32, i32
  }
  func.func @transform_3(%arg0: i32, %arg1: memref<1025xi32, #tpu.memory_space<smem>>, %arg2: memref<1024xi32, #tpu.memory_space<smem>>) -> (i32, i32) {
    %c0_i32 = arith.constant 0 : i32
    %c0_i32_0 = arith.constant 0 : i32
    %c0_i32_1 = arith.constant 0 : i32
    return %c0_i32, %c0_i32_0 : i32, i32
  }
  func.func @transform_4(%arg0: i32, %arg1: memref<1025xi32, #tpu.memory_space<smem>>, %arg2: memref<1024xi32, #tpu.memory_space<smem>>) -> (i32, i32) {
    %c0_i32 = arith.constant 0 : i32
    %c0_i32_0 = arith.constant 0 : i32
    %c0_i32_1 = arith.constant 0 : i32
    return %c0_i32, %c0_i32_0 : i32, i32
  }
  func.func @transform_5(%arg0: i32, %arg1: memref<1025xi32, #tpu.memory_space<smem>>, %arg2: memref<1024xi32, #tpu.memory_space<smem>>) -> (i32, i32, i32) {
    %get3A = arith.index_cast %arg0 : i32 to index
    %get3A_0 = memref.load %arg1[%get3A] : memref<1025xi32, #tpu.memory_space<smem>>
    %c0_i32 = arith.constant 0 : i32
    %c0_i32_1 = arith.constant 0 : i32
    %c0_i32_2 = arith.constant 0 : i32
    return %get3A_0, %c0_i32, %c0_i32_1 : i32, i32, i32
  }
  func.func @transform_6(%arg0: i32, %arg1: memref<1025xi32, #tpu.memory_space<smem>>, %arg2: memref<1024xi32, #tpu.memory_space<smem>>) -> (i32, i32, i32) {
    %get3A = arith.index_cast %arg0 : i32 to index
    %get3A_0 = memref.load %arg1[%get3A] : memref<1025xi32, #tpu.memory_space<smem>>
    %c0_i32 = arith.constant 0 : i32
    %c0_i32_1 = arith.constant 0 : i32
    %c0_i32_2 = arith.constant 0 : i32
    return %get3A_0, %c0_i32, %c0_i32_1 : i32, i32, i32
  }
  func.func @transform_8(%arg0: i32, %arg1: memref<1025xi32, #tpu.memory_space<smem>>, %arg2: memref<1024xi32, #tpu.memory_space<smem>>) -> (i32, i32, i32) {
    %get3A = arith.index_cast %arg0 : i32 to index
    %get3A_0 = memref.load %arg1[%get3A] : memref<1025xi32, #tpu.memory_space<smem>>
    %c0_i32 = arith.constant 0 : i32
    %c0_i32_1 = arith.constant 0 : i32
    %c0_i32_2 = arith.constant 0 : i32
    return %get3A_0, %c0_i32, %c0_i32_1 : i32, i32, i32
  }
}

module attributes {stable_mosaic.version = 14 : i64} {
  func.func @_norm_body(%arg0: i32, %arg1: memref<8x256x128xf32, #tpu.memory_space<vmem>>, %arg2: memref<1024x128xf32, #tpu.memory_space<vmem>>, %arg3: memref<128x128xf32, #tpu.memory_space<vmem>>, %arg4: memref<128x128xf32, #tpu.memory_space<vmem>>, %arg5: memref<8x256x128xf32, #tpu.memory_space<vmem>>, %arg6: memref<1024x128xf32, #tpu.memory_space<vmem>>) attributes {dimension_semantics = [#tpu.dimension_semantics<arbitrary>], iteration_bounds = array<i64: 256>, scalar_prefetch = 0 : i64, scratch_operands = 0 : i64, tpu.core_type = #tpu.core_type<tc>, window_params = [{transform_indices = @transform_0, window_bounds = array<i64: 8, 256, 128>}, {pipeline_mode = #tpu.pipeline_mode<synchronous>, transform_indices = @transform_1, window_bounds = array<i64: 1024, 128>}, {pipeline_mode = #tpu.pipeline_mode<synchronous>, transform_indices = @transform_2, window_bounds = array<i64: 128, 128>}, {pipeline_mode = #tpu.pipeline_mode<synchronous>, transform_indices = @transform_3, window_bounds = array<i64: 128, 128>}, {transform_indices = @transform_4, window_bounds = array<i64: 8, 256, 128>}, {pipeline_mode = #tpu.pipeline_mode<synchronous>, transform_indices = @transform_5, window_bounds = array<i64: 1024, 128>}]} {
    %eq3A = arith.constant 0 : i32
    %eq3A_0 = arith.cmpi eq, %arg0, %eq3A : i32
    %convert_element_type3A = arith.extui %eq3A_0 : i1 to i32
    %cond3A = arith.constant 0 : i32
    %cond3A_1 = arith.cmpi ne, %convert_element_type3A, %cond3A : i32
    scf.if %cond3A_1 {
      %get3A_151 = arith.constant 0 : index
      %get3A_152 = arith.constant 0 : index
      %get3A_153 = vector.load %arg2[%get3A_151, %get3A_152] : memref<1024x128xf32, #tpu.memory_space<vmem>>, vector<1024x128xf32>
      %get3A_154 = arith.constant 0 : index
      %get3A_155 = arith.constant 0 : index
      %get3A_156 = vector.load %arg3[%get3A_154, %get3A_155] : memref<128x128xf32, #tpu.memory_space<vmem>>, vector<128x128xf32>
      %dot_general3A_157 = arith.constant dense<0.000000e+00> : vector<1024x128xf32>
      %dot_general3A_158 = tpu.matmul %get3A_153, %get3A_156, %dot_general3A_157 {dimension_numbers = #tpu.dot_dimension_numbers<[1], [0], [0], [1], [0, 0, 1, 1], [], []>, transpose_lhs_hint = false} : vector<1024x128xf32>, vector<128x128xf32>, vector<1024x128xf32> -> vector<1024x128xf32>
      %swap3A_159 = arith.constant 0 : index
      %swap3A_160 = arith.constant 0 : index
      %swap3A_161 = vector.load %arg6[%swap3A_159, %swap3A_160] : memref<1024x128xf32, #tpu.memory_space<vmem>>, vector<1024x128xf32>
      tpu.vector_store %arg6[%swap3A_159, %swap3A_160], %dot_general3A_158 {strides = array<i32>} : memref<1024x128xf32, #tpu.memory_space<vmem>>, vector<1024x128xf32>,
    } else {
    }
    %get3A = arith.constant 0 : index
    %get3A_2 = arith.constant 0 : index
    %get3A_3 = vector.load %arg4[%get3A, %get3A_2] : memref<128x128xf32, #tpu.memory_space<vmem>>, vector<128x128xf32>
    %get3A_4 = arith.constant 0 : index
    %get3A_5 = arith.constant 0 : index
    %get3A_6 = arith.constant 0 : index
    %get3A_7 = vector.load %arg1[%get3A_4, %get3A_5, %get3A_6] : memref<8x256x128xf32, #tpu.memory_space<vmem>>, vector<1x256x128xf32>
    %get3A_8 = vector.shape_cast %get3A_7 : vector<1x256x128xf32> to vector<256x128xf32>
    %mul3A = arith.mulf %get3A_8, %get3A_8 : vector<256x128xf32>
    %dot_general3A = arith.constant dense<0.000000e+00> : vector<256x128xf32>
    %dot_general3A_9 = tpu.matmul %mul3A, %get3A_3, %dot_general3A {dimension_numbers = #tpu.dot_dimension_numbers<[1], [0], [0], [1], [0, 0, 1, 1], [], []>, transpose_lhs_hint = false} : vector<256x128xf32>, vector<128x128xf32>, vector<256x128xf32> -> vector<256x128xf32>
    %max3A = arith.constant 9.99999996E-13 : f32
    %max3A_10 = vector.broadcast %max3A : f32 to vector<256x128xf32>
    %max3A_11 = arith.maximumf %dot_general3A_9, %max3A_10 : vector<256x128xf32>
    %rsqrt3A = math.rsqrt %max3A_11 : vector<256x128xf32>
    %mul3A_12 = arith.mulf %get3A_8, %rsqrt3A : vector<256x128xf32>
    %swap3A = arith.constant 0 : index
    %swap3A_13 = arith.constant 0 : index
    %swap3A_14 = arith.constant 0 : index
    %swap3A_15 = vector.load %arg5[%swap3A, %swap3A_13, %swap3A_14] : memref<8x256x128xf32, #tpu.memory_space<vmem>>, vector<1x256x128xf32>
    %swap3A_16 = vector.shape_cast %swap3A_15 : vector<1x256x128xf32> to vector<256x128xf32>
    %swap3A_17 = vector.shape_cast %mul3A_12 : vector<256x128xf32> to vector<1x256x128xf32>
    tpu.vector_store %arg5[%swap3A, %swap3A_13, %swap3A_14], %swap3A_17 {strides = array<i32>} : memref<8x256x128xf32, #tpu.memory_space<vmem>>, vector<1x256x128xf32>,
    %get3A_18 = arith.constant 1 : index
    %get3A_19 = arith.constant 0 : index
    %get3A_20 = arith.constant 0 : index
    %get3A_21 = vector.load %arg1[%get3A_18, %get3A_19, %get3A_20] : memref<8x256x128xf32, #tpu.memory_space<vmem>>, vector<1x256x128xf32>
    %get3A_22 = vector.shape_cast %get3A_21 : vector<1x256x128xf32> to vector<256x128xf32>
    %mul3A_23 = arith.mulf %get3A_22, %get3A_22 : vector<256x128xf32>
    %dot_general3A_24 = arith.constant dense<0.000000e+00> : vector<256x128xf32>
    %dot_general3A_25 = tpu.matmul %mul3A_23, %get3A_3, %dot_general3A_24 {dimension_numbers = #tpu.dot_dimension_numbers<[1], [0], [0], [1], [0, 0, 1, 1], [], []>, transpose_lhs_hint = false} : vector<256x128xf32>, vector<128x128xf32>, vector<256x128xf32> -> vector<256x128xf32>
    %max3A_26 = arith.constant 9.99999996E-13 : f32
    %max3A_27 = vector.broadcast %max3A_26 : f32 to vector<256x128xf32>
    %max3A_28 = arith.maximumf %dot_general3A_25, %max3A_27 : vector<256x128xf32>
    %rsqrt3A_29 = math.rsqrt %max3A_28 : vector<256x128xf32>
    %mul3A_30 = arith.mulf %get3A_22, %rsqrt3A_29 : vector<256x128xf32>
    %swap3A_31 = arith.constant 1 : index
    %swap3A_32 = arith.constant 0 : index
    %swap3A_33 = arith.constant 0 : index
    %swap3A_34 = vector.load %arg5[%swap3A_31, %swap3A_32, %swap3A_33] : memref<8x256x128xf32, #tpu.memory_space<vmem>>, vector<1x256x128xf32>
    %swap3A_35 = vector.shape_cast %swap3A_34 : vector<1x256x128xf32> to vector<256x128xf32>
    %swap3A_36 = vector.shape_cast %mul3A_30 : vector<256x128xf32> to vector<1x256x128xf32>
    tpu.vector_store %arg5[%swap3A_31, %swap3A_32, %swap3A_33], %swap3A_36 {strides = array<i32>} : memref<8x256x128xf32, #tpu.memory_space<vmem>>, vector<1x256x128xf32>,
    %get3A_37 = arith.constant 2 : index
    %get3A_38 = arith.constant 0 : index
    %get3A_39 = arith.constant 0 : index
    %get3A_40 = vector.load %arg1[%get3A_37, %get3A_38, %get3A_39] : memref<8x256x128xf32, #tpu.memory_space<vmem>>, vector<1x256x128xf32>
    %get3A_41 = vector.shape_cast %get3A_40 : vector<1x256x128xf32> to vector<256x128xf32>
    %mul3A_42 = arith.mulf %get3A_41, %get3A_41 : vector<256x128xf32>
    %dot_general3A_43 = arith.constant dense<0.000000e+00> : vector<256x128xf32>
    %dot_general3A_44 = tpu.matmul %mul3A_42, %get3A_3, %dot_general3A_43 {dimension_numbers = #tpu.dot_dimension_numbers<[1], [0], [0], [1], [0, 0, 1, 1], [], []>, transpose_lhs_hint = false} : vector<256x128xf32>, vector<128x128xf32>, vector<256x128xf32> -> vector<256x128xf32>
    %max3A_45 = arith.constant 9.99999996E-13 : f32
    %max3A_46 = vector.broadcast %max3A_45 : f32 to vector<256x128xf32>
    %max3A_47 = arith.maximumf %dot_general3A_44, %max3A_46 : vector<256x128xf32>
    %rsqrt3A_48 = math.rsqrt %max3A_47 : vector<256x128xf32>
    %mul3A_49 = arith.mulf %get3A_41, %rsqrt3A_48 : vector<256x128xf32>
    %swap3A_50 = arith.constant 2 : index
    %swap3A_51 = arith.constant 0 : index
    %swap3A_52 = arith.constant 0 : index
    %swap3A_53 = vector.load %arg5[%swap3A_50, %swap3A_51, %swap3A_52] : memref<8x256x128xf32, #tpu.memory_space<vmem>>, vector<1x256x128xf32>
    %swap3A_54 = vector.shape_cast %swap3A_53 : vector<1x256x128xf32> to vector<256x128xf32>
    %swap3A_55 = vector.shape_cast %mul3A_49 : vector<256x128xf32> to vector<1x256x128xf32>
    tpu.vector_store %arg5[%swap3A_50, %swap3A_51, %swap3A_52], %swap3A_55 {strides = array<i32>} : memref<8x256x128xf32, #tpu.memory_space<vmem>>, vector<1x256x128xf32>,
    %get3A_56 = arith.constant 3 : index
    %get3A_57 = arith.constant 0 : index
    %get3A_58 = arith.constant 0 : index
    %get3A_59 = vector.load %arg1[%get3A_56, %get3A_57, %get3A_58] : memref<8x256x128xf32, #tpu.memory_space<vmem>>, vector<1x256x128xf32>
    %get3A_60 = vector.shape_cast %get3A_59 : vector<1x256x128xf32> to vector<256x128xf32>
    %mul3A_61 = arith.mulf %get3A_60, %get3A_60 : vector<256x128xf32>
    %dot_general3A_62 = arith.constant dense<0.000000e+00> : vector<256x128xf32>
    %dot_general3A_63 = tpu.matmul %mul3A_61, %get3A_3, %dot_general3A_62 {dimension_numbers = #tpu.dot_dimension_numbers<[1], [0], [0], [1], [0, 0, 1, 1], [], []>, transpose_lhs_hint = false} : vector<256x128xf32>, vector<128x128xf32>, vector<256x128xf32> -> vector<256x128xf32>
    %max3A_64 = arith.constant 9.99999996E-13 : f32
    %max3A_65 = vector.broadcast %max3A_64 : f32 to vector<256x128xf32>
    %max3A_66 = arith.maximumf %dot_general3A_63, %max3A_65 : vector<256x128xf32>
    %rsqrt3A_67 = math.rsqrt %max3A_66 : vector<256x128xf32>
    %mul3A_68 = arith.mulf %get3A_60, %rsqrt3A_67 : vector<256x128xf32>
    %swap3A_69 = arith.constant 3 : index
    %swap3A_70 = arith.constant 0 : index
    %swap3A_71 = arith.constant 0 : index
    %swap3A_72 = vector.load %arg5[%swap3A_69, %swap3A_70, %swap3A_71] : memref<8x256x128xf32, #tpu.memory_space<vmem>>, vector<1x256x128xf32>
    %swap3A_73 = vector.shape_cast %swap3A_72 : vector<1x256x128xf32> to vector<256x128xf32>
    %swap3A_74 = vector.shape_cast %mul3A_68 : vector<256x128xf32> to vector<1x256x128xf32>
    tpu.vector_store %arg5[%swap3A_69, %swap3A_70, %swap3A_71], %swap3A_74 {strides = array<i32>} : memref<8x256x128xf32, #tpu.memory_space<vmem>>, vector<1x256x128xf32>,
    %get3A_75 = arith.constant 4 : index
    %get3A_76 = arith.constant 0 : index
    %get3A_77 = arith.constant 0 : index
    %get3A_78 = vector.load %arg1[%get3A_75, %get3A_76, %get3A_77] : memref<8x256x128xf32, #tpu.memory_space<vmem>>, vector<1x256x128xf32>
    %get3A_79 = vector.shape_cast %get3A_78 : vector<1x256x128xf32> to vector<256x128xf32>
    %mul3A_80 = arith.mulf %get3A_79, %get3A_79 : vector<256x128xf32>
    %dot_general3A_81 = arith.constant dense<0.000000e+00> : vector<256x128xf32>
    %dot_general3A_82 = tpu.matmul %mul3A_80, %get3A_3, %dot_general3A_81 {dimension_numbers = #tpu.dot_dimension_numbers<[1], [0], [0], [1], [0, 0, 1, 1], [], []>, transpose_lhs_hint = false} : vector<256x128xf32>, vector<128x128xf32>, vector<256x128xf32> -> vector<256x128xf32>
    %max3A_83 = arith.constant 9.99999996E-13 : f32
    %max3A_84 = vector.broadcast %max3A_83 : f32 to vector<256x128xf32>
    %max3A_85 = arith.maximumf %dot_general3A_82, %max3A_84 : vector<256x128xf32>
    %rsqrt3A_86 = math.rsqrt %max3A_85 : vector<256x128xf32>
    %mul3A_87 = arith.mulf %get3A_79, %rsqrt3A_86 : vector<256x128xf32>
    %swap3A_88 = arith.constant 4 : index
    %swap3A_89 = arith.constant 0 : index
    %swap3A_90 = arith.constant 0 : index
    %swap3A_91 = vector.load %arg5[%swap3A_88, %swap3A_89, %swap3A_90] : memref<8x256x128xf32, #tpu.memory_space<vmem>>, vector<1x256x128xf32>
    %swap3A_92 = vector.shape_cast %swap3A_91 : vector<1x256x128xf32> to vector<256x128xf32>
    %swap3A_93 = vector.shape_cast %mul3A_87 : vector<256x128xf32> to vector<1x256x128xf32>
    tpu.vector_store %arg5[%swap3A_88, %swap3A_89, %swap3A_90], %swap3A_93 {strides = array<i32>} : memref<8x256x128xf32, #tpu.memory_space<vmem>>, vector<1x256x128xf32>,
    %get3A_94 = arith.constant 5 : index
    %get3A_95 = arith.constant 0 : index
    %get3A_96 = arith.constant 0 : index
    %get3A_97 = vector.load %arg1[%get3A_94, %get3A_95, %get3A_96] : memref<8x256x128xf32, #tpu.memory_space<vmem>>, vector<1x256x128xf32>
    %get3A_98 = vector.shape_cast %get3A_97 : vector<1x256x128xf32> to vector<256x128xf32>
    %mul3A_99 = arith.mulf %get3A_98, %get3A_98 : vector<256x128xf32>
    %dot_general3A_100 = arith.constant dense<0.000000e+00> : vector<256x128xf32>
    %dot_general3A_101 = tpu.matmul %mul3A_99, %get3A_3, %dot_general3A_100 {dimension_numbers = #tpu.dot_dimension_numbers<[1], [0], [0], [1], [0, 0, 1, 1], [], []>, transpose_lhs_hint = false} : vector<256x128xf32>, vector<128x128xf32>, vector<256x128xf32> -> vector<256x128xf32>
    %max3A_102 = arith.constant 9.99999996E-13 : f32
    %max3A_103 = vector.broadcast %max3A_102 : f32 to vector<256x128xf32>
    %max3A_104 = arith.maximumf %dot_general3A_101, %max3A_103 : vector<256x128xf32>
    %rsqrt3A_105 = math.rsqrt %max3A_104 : vector<256x128xf32>
    %mul3A_106 = arith.mulf %get3A_98, %rsqrt3A_105 : vector<256x128xf32>
    %swap3A_107 = arith.constant 5 : index
    %swap3A_108 = arith.constant 0 : index
    %swap3A_109 = arith.constant 0 : index
    %swap3A_110 = vector.load %arg5[%swap3A_107, %swap3A_108, %swap3A_109] : memref<8x256x128xf32, #tpu.memory_space<vmem>>, vector<1x256x128xf32>
    %swap3A_111 = vector.shape_cast %swap3A_110 : vector<1x256x128xf32> to vector<256x128xf32>
    %swap3A_112 = vector.shape_cast %mul3A_106 : vector<256x128xf32> to vector<1x256x128xf32>
    tpu.vector_store %arg5[%swap3A_107, %swap3A_108, %swap3A_109], %swap3A_112 {strides = array<i32>} : memref<8x256x128xf32, #tpu.memory_space<vmem>>, vector<1x256x128xf32>,
    %get3A_113 = arith.constant 6 : index
    %get3A_114 = arith.constant 0 : index
    %get3A_115 = arith.constant 0 : index
    %get3A_116 = vector.load %arg1[%get3A_113, %get3A_114, %get3A_115] : memref<8x256x128xf32, #tpu.memory_space<vmem>>, vector<1x256x128xf32>
    %get3A_117 = vector.shape_cast %get3A_116 : vector<1x256x128xf32> to vector<256x128xf32>
    %mul3A_118 = arith.mulf %get3A_117, %get3A_117 : vector<256x128xf32>
    %dot_general3A_119 = arith.constant dense<0.000000e+00> : vector<256x128xf32>
    %dot_general3A_120 = tpu.matmul %mul3A_118, %get3A_3, %dot_general3A_119 {dimension_numbers = #tpu.dot_dimension_numbers<[1], [0], [0], [1], [0, 0, 1, 1], [], []>, transpose_lhs_hint = false} : vector<256x128xf32>, vector<128x128xf32>, vector<256x128xf32> -> vector<256x128xf32>
    %max3A_121 = arith.constant 9.99999996E-13 : f32
    %max3A_122 = vector.broadcast %max3A_121 : f32 to vector<256x128xf32>
    %max3A_123 = arith.maximumf %dot_general3A_120, %max3A_122 : vector<256x128xf32>
    %rsqrt3A_124 = math.rsqrt %max3A_123 : vector<256x128xf32>
    %mul3A_125 = arith.mulf %get3A_117, %rsqrt3A_124 : vector<256x128xf32>
    %swap3A_126 = arith.constant 6 : index
    %swap3A_127 = arith.constant 0 : index
    %swap3A_128 = arith.constant 0 : index
    %swap3A_129 = vector.load %arg5[%swap3A_126, %swap3A_127, %swap3A_128] : memref<8x256x128xf32, #tpu.memory_space<vmem>>, vector<1x256x128xf32>
    %swap3A_130 = vector.shape_cast %swap3A_129 : vector<1x256x128xf32> to vector<256x128xf32>
    %swap3A_131 = vector.shape_cast %mul3A_125 : vector<256x128xf32> to vector<1x256x128xf32>
    tpu.vector_store %arg5[%swap3A_126, %swap3A_127, %swap3A_128], %swap3A_131 {strides = array<i32>} : memref<8x256x128xf32, #tpu.memory_space<vmem>>, vector<1x256x128xf32>,
    %get3A_132 = arith.constant 7 : index
    %get3A_133 = arith.constant 0 : index
    %get3A_134 = arith.constant 0 : index
    %get3A_135 = vector.load %arg1[%get3A_132, %get3A_133, %get3A_134] : memref<8x256x128xf32, #tpu.memory_space<vmem>>, vector<1x256x128xf32>
    %get3A_136 = vector.shape_cast %get3A_135 : vector<1x256x128xf32> to vector<256x128xf32>
    %mul3A_137 = arith.mulf %get3A_136, %get3A_136 : vector<256x128xf32>
    %dot_general3A_138 = arith.constant dense<0.000000e+00> : vector<256x128xf32>
    %dot_general3A_139 = tpu.matmul %mul3A_137, %get3A_3, %dot_general3A_138 {dimension_numbers = #tpu.dot_dimension_numbers<[1], [0], [0], [1], [0, 0, 1, 1], [], []>, transpose_lhs_hint = false} : vector<256x128xf32>, vector<128x128xf32>, vector<256x128xf32> -> vector<256x128xf32>
    %max3A_140 = arith.constant 9.99999996E-13 : f32
    %max3A_141 = vector.broadcast %max3A_140 : f32 to vector<256x128xf32>
    %max3A_142 = arith.maximumf %dot_general3A_139, %max3A_141 : vector<256x128xf32>
    %rsqrt3A_143 = math.rsqrt %max3A_142 : vector<256x128xf32>
    %mul3A_144 = arith.mulf %get3A_136, %rsqrt3A_143 : vector<256x128xf32>
    %swap3A_145 = arith.constant 7 : index
    %swap3A_146 = arith.constant 0 : index
    %swap3A_147 = arith.constant 0 : index
    %swap3A_148 = vector.load %arg5[%swap3A_145, %swap3A_146, %swap3A_147] : memref<8x256x128xf32, #tpu.memory_space<vmem>>, vector<1x256x128xf32>
    %swap3A_149 = vector.shape_cast %swap3A_148 : vector<1x256x128xf32> to vector<256x128xf32>
    %swap3A_150 = vector.shape_cast %mul3A_144 : vector<256x128xf32> to vector<1x256x128xf32>
    tpu.vector_store %arg5[%swap3A_145, %swap3A_146, %swap3A_147], %swap3A_150 {strides = array<i32>} : memref<8x256x128xf32, #tpu.memory_space<vmem>>, vector<1x256x128xf32>,
    return
  }
  func.func @transform_0(%arg0: i32) -> (i32, i32, i32) {
    %c0_i32 = arith.constant 0 : i32
    %c0_i32_0 = arith.constant 0 : i32
    %c0_i32_1 = arith.constant 0 : i32
    return %arg0, %c0_i32, %c0_i32_0 : i32, i32, i32
  }
  func.func @transform_1(%arg0: i32) -> (i32, i32) {
    %c0_i32 = arith.constant 0 : i32
    %c0_i32_0 = arith.constant 0 : i32
    %c0_i32_1 = arith.constant 0 : i32
    return %c0_i32, %c0_i32_0 : i32, i32
  }
  func.func @transform_2(%arg0: i32) -> (i32, i32) {
    %c0_i32 = arith.constant 0 : i32
    %c0_i32_0 = arith.constant 0 : i32
    %c0_i32_1 = arith.constant 0 : i32
    return %c0_i32, %c0_i32_0 : i32, i32
  }
  func.func @transform_3(%arg0: i32) -> (i32, i32) {
    %c0_i32 = arith.constant 0 : i32
    %c0_i32_0 = arith.constant 0 : i32
    %c0_i32_1 = arith.constant 0 : i32
    return %c0_i32, %c0_i32_0 : i32, i32
  }
  func.func @transform_4(%arg0: i32) -> (i32, i32, i32) {
    %c0_i32 = arith.constant 0 : i32
    %c0_i32_0 = arith.constant 0 : i32
    %c0_i32_1 = arith.constant 0 : i32
    return %arg0, %c0_i32, %c0_i32_0 : i32, i32, i32
  }
  func.func @transform_5(%arg0: i32) -> (i32, i32) {
    %c0_i32 = arith.constant 0 : i32
    %c0_i32_0 = arith.constant 0 : i32
    %c0_i32_1 = arith.constant 0 : i32
    return %c0_i32, %c0_i32_0 : i32, i32
  }
}

</mosaic_0001>

<sc_bundles>
// kernel: sparse-core-data-format-call.cloned.1.call-start
scs
called_computation_lowered:
.L_overlay_start_0:
0x0: {  	s2 =	sld [smem:$0x3FD9]  }
0x1: {  	s3 =	sld [smem:$0x3FFE];
	_ =	sdelay $0x1  }
0x2: {  	s1 =	srdreg.scid  }
0x3: {  	s0 =	sand.u32 $0x1, s1  }
0x4: {  	s18 =	sshll.u32 s0, $0xA;
	s2 =	sadd.s32 s3, s2  }
0x5: {  	s2 =	sadd.s32 s2, s18  }
0x6: {  	[smem:$0x3FC1] =	sst s2  }
0x7: {  	_ = 	snop  }
0x8: {  	s2 =	sld [smem:$0x3FD0];
	(tm) =	ssettm $0x1  }
0x9: {  	s19 =	sld [smem:$0x3FFB];
	_ =	sdelay $0x3  }
0xa: {  	_ =	strace s19  }
0xb: {  	s3 =	sld [smem:$0x3FFC];
	_ =	sdelay $0x3  }
0xc: {  	_ =	strace s3  }
0xd: {  	s3 =	sld [smem:$0x3FFD];
	_ =	sdelay $0x3  }
0xe: {  	_ =	strace s3  }
0xf: {  	_ =	strace $0x8FFFFFFF  }
0x10: {  	s20 =	sld [smem:$0x3FDB];
	_ =	sdelay $0x1  }
0x11: {  	s4 =	simm.s32 $_scs_section_size  }
0x12: {  	s5 =	simm.s32 $_size__tile_overlayer_lowered;
	s6 =	simm.s32 $_tile_overlayer_lowered  }
0x13: {  	s23 =	simm.s32 $0x1BFF;
	s22 =	sshll.u32 s6, $0x1;
	s3 =	sadd.s32 s4, s20  }
0x14: {  	s7 =	simm.s32 $0x0;
	s21 =	sshll.u32 s5, $0x1;
	s5 =	sadd.s32 s22, s3  }
0x15: {  	[timem:s7], [sflag:s23] =	dma.local [hbm:s5], s21  }
0x16: {  	_ =	swait.ge [sflag:s23], s21  }
0x17: {  	s4 =	ssub.s32 $0x0, s21;
	[sflag:s23] =	ssyncset.done $0x0  }
0x18: {  	[sflag:s23] =	ssyncadd.s32 s4;
	_ =	sdelay $0x1  }
0x19: {  	s24 =	simm.s32 $0x1B8B  }
0x1a: {  	_ =	swait.ge [sflag:s24], $0x1  }
0x1b: {  	[sflag:s24] =	ssyncset.done $0x0  }
0x1c: {  	s26 =	simm.s32 $0x1B8E;
	s25 =	sld [smem:$0x3FFE];
	[sflag:s24] =	ssyncadd.s32 $0xFFFFFFFF  }
0x1d: {  	s27 =	simm.s32 $execute0_lowered;
	[smem:$0x3FD2] =	sst s26  }
0x1e: {  	s5 =	sshll.u32 s27, $0x1;
	_ =	strace $0x80000046;
	[dreg:$0x1] =	wrdreg $0xFFFFFFFF  }
0x1f: {  	s28 =	simm.s32 $_size_execute0_lowered;
	s3 =	sadd.s32 s3, s5;
	[dreg:$0x0] =	wrdreg $0x0  }
0x20: {  	s5 =	sshll.u32 s28, $0x1;
	[dreg:$0x2] =	wrdreg s3  }
0x21: {  	[dreg:$0x3] =	wrdreg s5  }
0x22: {  	[dreg:$0x4] =	wrdreg $0xC0  }
0x23: {  	_ =	task [dreg:s7], $0x5FFFF  }
0x24: {  	[dreg:$0x1] =	wrdreg $0xFFFFFFFF  }
0x25: {  	[dreg:$0x0] =	wrdreg $0x60  }
0x26: {  	[dreg:$0x2] =	wrdreg s25  }
0x27: {  	[dreg:$0x3] =	wrdreg s2  }
0x28: {  	[dreg:$0x4] =	wrdreg $0x9  }
0x29: {  	_ =	task.clear_ibuf [dreg:s7], $0x5FFFF;
	_ =	strace $0x90000046  }
0x2a: {  	s29 =	simm.s32 $0x9;
	_ =	strace $0x80000048  }
0x2b: {  	_ =	swait.ge [sflag:s29], $0x1  }
0x2c: {  	[sflag:s29] =	ssyncadd.s32 $0xFFFFFFFF  }
0x2d: {  	_ =	strace $0x90000048  }
0x2e: {  	_ =	sfence  }
0x2f: {  	s30 =	sld [smem:$0x0];
	_ =	sdelay $0x2  }
0x30: {  	s31 =	sshll.u32 s1, $0xD;
	s1 =	sshrl.u32 s1, $0x2  }
0x31: {  	s3 =	sand.u32 $0x4000, s31;
	s1 =	sadd.s32 s1, s30  }
0x32: {  	s0 =	sor.u32 s3, s0;
	s1 =	sshll.u32 s1, $0x11  }
0x33: {  	s0 =	sor.u32 s1, s0  }
0x34: {  	s0 =	sadd.s32 $0x8F2B, s0  }
0x35: {  	[sflag:s0] =	ssyncadd.remote.s32 $0x1  }
0x36: {  	_ =	sfence.sel $0xFFFF  }
0x37: {  	[dreg:$0x0] =	wrdreg $0xFFFFFFFF;
	(pc) =	sbr.abs _section_cstart, $3  }
0x38: {  	[dreg:$0x1] =	wrdreg $0xFFFFFFFF  }
0x39: {  	_ =	task.clear_ibuf [dreg:s7], $0x2FFFF;
	_ =	strace $0x9FFFFFFF  }
0x3a: {  	(tm) =	ssettm $0x7FFFFFFF  }
0x3b: {  	_ =	shalt  }
tec
execute0_lowered:
.L_overlay_start_1:
0x0: {  	(tag) =	ssettag $0x1  }
0x1: {  	s4 =	rddreg [dreg:$0x0]  }
0x2: {  	s0 =	stileid.u32;
	s2 =	rddreg [dreg:$0x1]  }
0x3: {  	s1 =	rddreg [dreg:$0x2];
	_ =	strace $0x80000047;
	s5 =	srdreg.scid  }
0x4: {  	s31 =	simm.s32 $0x2;
	s14 =	simm.s32 $0x0;
	s9 =	simm.s32 $0x8000  }
0x5: {  	s16 =	simm.s32 $0x0;
	s15 =	simm.s32 $0x0;
	s3 =	sshll.u32 s0, $0x7  }
0x6: {  	s10 =	simm.s32 $0x0;
	s5 =	sshll.u32 s5, $0x4;
	s3 =	sand.u32 $0x380, s3  }
0x7: {  	s13 =	simm.s32 $0x0;
	s5 =	sand.u32 $0x10, s5;
	s6 =	ssub.s32 $0x400, s3  }
0x8: {  	s4 =	sadd.s32 $0xC00, s4;
	s5 =	sor.u32 s0, s5;
	s7 =	sand.u32 $0x380, s6  }
.Ltmp0:
0x9: {  	p0 =	sne.s32 s7, $0x0;
	s7 =	simm.s32 $0x1;
	(pc) =	sbr.rel .LBB1_1-.Ltmp0, $4  }
0xa: {  	s12 =	smov.u32 s3;
	s8 =	sshrl.u32 s6, $0xA;
	s7 =	simm.s32 @!p0 $0x0  }
0xb: {  	s5 =	sshrl.u32 s5, $0x3;
	s6 =	simm.s32 $0x1;
	s7 =	sadd.s32 s7, s8  }
0xc: {  	[sflag:s6] =	ssyncpa.u1 $0x0;
	s11 =	smov.u32 s5;
	s7 =	sshll.u32 s7, $0x7  }
0xd: {  	[sflag:s31] =	ssyncpa.u1 $0x0;
	p0 =	por $0x0, $0x0;
	s8 =	sor.u32 $0x1, s7  }
.LBB1_4:
0xe: {  	v5 =	vld [tilespmem:s20+$0xFFFFFFD0];
	[tilespmem:s19+$0x2040 ss:$0x81] =	vst.msk $0xffff, v1  }
0xf: {  	v58 =	vld [tilespmem:s20+$0xFFFFFFE0];
	[tilespmem:s19+$0x2850 ss:$0x81] =	vst.msk $0xffff, v2  }
0x10: {  	s21 =	sshra.s32 s21, $0x2;
	v59 =	vld [tilespmem:s20+$0xFFFFFFF0];
	[tilespmem:s19+$0x3060 ss:$0x81] =	vst.msk $0xffff, v3  }
0x11: {  	v60 =	vld [tilespmem:s20+$0x0];
	[tilespmem:s19+$0x0 ss:$0x81] =	vst.msk $0xffff, v0;
	s18 =	sadd.s32 s21, s18  }
0x12: {  	v61 =	vld [tilespmem:s20+$0x10];
	[tilespmem:s18+$0x3870 ss:$0x81] =	vst.msk $0xffff, v4  }
0x13: {  	v62 =	vld [tilespmem:s20+$0x20];
	s26 =	sshll.u32 s16, $0xA;
	s27 =	sshll.u32 s15, $0x3;
	[tilespmem:s18+$0x810 ss:$0x81] =	vst.msk $0xffff, v5  }
0x14: {  	v63 =	vld [tilespmem:s20+$0xFFFFFFC0];
	s29 =	sshll.u32 s16, $0x7;
	s30 =	sand.u32 $0x78, s15;
	s14 =	sshll.u32 s14, $0xC;
	[tilespmem:s18+$0x1020 ss:$0x81] =	vst.msk $0xffff, v58  }
0x15: {  	s19 =	sand.u32 $0x6000, s26;
	s28 =	sand.u32 $0x7C00, s27;
	s16 =	sand.u32 $0x380, s29;
	[tilespmem:s18+$0x1830 ss:$0x81] =	vst.msk $0xffff, v59  }
0x16: {  	s31 =	sand.u32 $0x7, s15;
	s19 =	sadd.s32 s28, s19;
	s16 =	sor.u32 s30, s16;
	[tilespmem:s18+$0x2040 ss:$0x81] =	vst.msk $0xffff, v60  }
0x17: {  	s14 =	sadd.s32 s2, s14;
	s19 =	sshrl.u32 s19, $0x3;
	s16 =	sshrl.u32 s16, $0x3;
	[tilespmem:s18+$0x2850 ss:$0x81] =	vst.msk $0xffff, v61  }
0x18: {  	s15 =	sshll.u32 s31, $0x12;
	s19 =	sand.u32 $0xF80, s19;
	s14 =	sadd.s32 s16, s14;
	[tilespmem:s18+$0x3060 ss:$0x81] =	vst.msk $0xffff, v62  }
0x19: {  	s15 =	sor.u32 $0x80, s15;
	[tilespmem:s18+$0x0 ss:$0x81] =	vst.msk $0xffff, v63;
	s14 =	sadd.s32 s19, s14  }
0x1a: {  	[hbm4b:s14+s15] =	stream.strided.scatter [tilespmem:s17], [sflag:$0x2], $0x4000, s9, s15, $0x20;
	[tilespmem:$0x10100] =	vst v63  }
.LBB1_5:
0x1b: {  	s17 =	sadd.s32 $0x80, s10  }
0x1c: {  	s14 =	sadd.s32 $0x4, s11;
	s18 =	smov.u32 s11;
	p2 =	sgt.s32 s17, $0x7FF  }
0x1d: {  	s18 =	smov.u32 @p2 s14  }
0x1e: {  	s20 =	smov.u32 s12;
	s14 =	sadd.s32 $0x400, s12;
	p3 =	sgt.s32 s18, $0x1F  }
0x1f: {  	s20 =	smov.u32 @p3 s14  }
0x20: {  	s17 =	simm.s32 @p2 $0x0;
	p2 =	sgt.s32 s20, $0x3FF  }
0x21: {  	p1 =	slt.u32 s13, $0x2;
	s20 =	smov.u32 @p2 s3;
	p2 =	sne.s32 s13, s8  }
.Ltmp1:
0x22: {  	s19 =	simm.s32 @!p1 $0x2;
	(pc) =	sbr.rel @!p2 .LBB1_6-.Ltmp1, $4  }
0x23: {  	s16 =	smov.u32 s11;
	s15 =	smov.u32 s12;
	_ =	swait.ge @!p1 [sflag:s19], $0x4000  }
0x24: {  	p0 =	por !p0, !p0;
	[sflag:s19] =	ssyncset.done @!p1 $0x0;
	s18 =	smov.u32 @p3 s5  }
0x25: {  	s14 =	smov.u32 s10;
	[sflag:s19] =	ssyncadd.s32 @!p1 $0xFFFFC000;
	s10 =	smov.u32 s17  }
0x26: {  	s11 =	smov.u32 s18;
	s13 =	sadd.s32 $0x1, s13;
	s12 =	smov.u32 s20  }
.LBB1_1:
0x27: {  	p1 =	sge.u32 s13, s7;
	s31 =	sadd.s32 $0xFFFFFFFF, s13  }
0x28: {  	s17 =	sxor.u32 @!p1 $0xFFFFFFFF, s13;
	s18 =	sand.u32 @!p1 $0x78, s10;
	s19 =	sshll.u32 @!p1 s11, $0xB  }
0x29: {  	s20 =	sshll.u32 @!p1 s11, $0x7;
	s21 =	sshll.u32 @!p1 s10, $0x3;
	s17 =	sshll.u32 @!p1 s17, $0xE  }
0x2a: {  	s19 =	sand.u32 @!p1 $0xC000, s19;
	s20 =	sand.u32 @!p1 $0x380, s20;
	s17 =	sand.u32 @!p1 $0x4000, s17  }
0x2b: {  	s19 =	sadd.s32 @!p1 s19, s21;
	s21 =	sand.u32 @!p1 $0x400, s21;
	s18 =	sor.u32 @!p1 s20, s18  }
0x2c: {  	s20 =	sshll.u32 @!p1 s12, $0xD;
	s18 =	sor.u32 @!p1 s21, s18;
	s19 =	sshrl.u32 @!p1 s19, $0x3  }
0x2d: {  	s20 =	sadd.s32 @!p1 s4, s20;
	s21 =	sand.u32 @!p1 $0x7, s10;
	s19 =	sand.u32 @!p1 $0x1F00, s19  }
0x2e: {  	s18 =	sshrl.u32 @!p1 s18, $0x3;
	s19 =	sadd.s32 @!p1 s19, s20;
	s20 =	sshll.u32 @!p1 s21, $0x12  }
0x2f: {  	s18 =	sadd.s32 @!p1 s18, s19;
	s19 =	sor.u32 @!p1 $0x80, s20;
	s20 =	simm.s32 @!p1 $0x10000  }
0x30: {  	[tilespmem:s17], [sflag:$0x1] =	stream.strided.gather @!p1 [hbm4b:s18+s19], $0x4000, s20, s19, $0x38;
	[tilespmem:$0x10100] =	vst v63  }
0x31: {  	p1 =	sge.u32 s31, s7  }
.Ltmp2:
0x32: {  	_ = 	snop;
	(pc) =	sbr.rel @p1 .LBB1_5-.Ltmp2, $1  }
0x33: {  	_ =	sdelay $0x3  }
0x34: {  	s17 =	simm.s32 $0x1  }
0x35: {  	_ =	swait.ge [sflag:s6], $0x4000;
	s17 =	simm.s32 @!p0 $0x0  }
0x36: {  	[sflag:s6] =	ssyncset.done $0x0;
	s18 =	sshll.u32 s17, $0xE  }
0x37: {  	[sflag:s6] =	ssyncadd.s32 $0xFFFFC000;
	s20 =	sor.u32 $0x40, s18  }
0x38: {  	s17 =	smul.u32 $0x10200, s17;
	v0 =	vld [tilespmem:s20+$0x30]  }
0x39: {  	v3 =	vld [tilespmem:s20+$0xFFFFFFD0]  }
0x3a: {  	s17 =	sshrl.u32 s17, $0x2;
	v4 =	vld [tilespmem:s20+$0xFFFFFFE0]  }
0x3b: {  	v5 =	vld [tilespmem:s20+$0xFFFFFFF0];
	s18 =	sor.u32 $0x8000, s17  }
0x3c: {  	s31 =	sand.u32 $0x1, s13;
	v1 =	vld [tilespmem:s20+$0x0];
	s19 =	sadd.s32 $0x0, s18  }
0x3d: {  	v2 =	vld [tilespmem:s20+$0x10];
	s17 =	smul.u32 $0x10200, s31;
	[tilespmem:s19+$0x3870 ss:$0x81] =	vst.msk $0xffff, v0  }
0x3e: {  	[tilespmem:s19+$0x810 ss:$0x81] =	vst.msk $0xffff, v3;
	v3 =	vld [tilespmem:s20+$0x20]  }
0x3f: {  	s17 =	sshrl.u32 s17, $0x2;
	v0 =	vld [tilespmem:s20+$0xFFFFFFC0];
	[tilespmem:s19+$0x1020 ss:$0x81] =	vst.msk $0xffff, v4;
	s20 =	sadd.s32 $0x80, s20  }
0x40: {  	s21 =	simm.s32 $0x4;
	s22 =	simm.s32 $0x8;
	s17 =	sor.u32 $0x8000, s17;
	[tilespmem:s19+$0x1830 ss:$0x81] =	vst.msk $0xffff, v5;
	v4 =	vld [tilespmem:s20+$0x30]  }
.LBB1_3:
0x41: {  	p1 =	sne.s32 s22, $0x1FC;
	v5 =	vld [tilespmem:s20+$0xFFFFFFD0];
	[tilespmem:s19+$0x2040 ss:$0x81] =	vst.msk $0xffff, v1  }
0x42: {  	v6 =	vld [tilespmem:s20+$0xFFFFFFE0];
	[tilespmem:s19+$0x2850 ss:$0x81] =	vst.msk $0xffff, v2  }
0x43: {  	s23 =	sshra.s32 s21, $0x2;
	s21 =	smov.u32 s22;
	v7 =	vld [tilespmem:s20+$0xFFFFFFF0];
	[tilespmem:s19+$0x3060 ss:$0x81] =	vst.msk $0xffff, v3  }
.Ltmp3:
0x44: {  	v1 =	vld [tilespmem:s20+$0x0];
	[tilespmem:s19+$0x0 ss:$0x81] =	vst.msk $0xffff, v0;
	s19 =	sadd.s32 s23, s18;
	(pc) =	sbr.rel @p1 .LBB1_3-.Ltmp3, $4  }
0x45: {  	v2 =	vld [tilespmem:s20+$0x10];
	[tilespmem:s19+$0x3870 ss:$0x81] =	vst.msk $0xffff, v4  }
0x46: {  	[tilespmem:s19+$0x810 ss:$0x81] =	vst.msk $0xffff, v5;
	v3 =	vld [tilespmem:s20+$0x20]  }
0x47: {  	v0 =	vld [tilespmem:s20+$0xFFFFFFC0];
	[tilespmem:s19+$0x1020 ss:$0x81] =	vst.msk $0xffff, v6;
	s20 =	sadd.s32 $0x80, s20  }
0x48: {  	s22 =	sadd.s32 $0x4, s22;
	v4 =	vld [tilespmem:s20+$0x30];
	[tilespmem:s19+$0x1830 ss:$0x81] =	vst.msk $0xffff, v7  }
.Ltmp4:
0x49: {  	_ = 	snop;
	(pc) =	sbr.rel .LBB1_4-.Ltmp4, $1  }
0x4a: {  	_ =	sdelay $0x3  }
.LBB1_6:
0x4b: {  	_ =	sfence.sel $0x180000  }
0x4c: {  	s2 =	simm.s32 $0x1;
	[bflag:$0x0] =	sbarrier.arrive $0xFFFF  }
0x4d: {  	s31 =	simm.s32 $0x2;
	[sflag:s2] =	ssyncpa.u1 $0x1  }
0x4e: {  	[sflag:s31] =	ssyncpa.u1 $0x1  }
0x4f: {  	p0 =	sne.s32 s0, $0x0;
	_ =	strace $0x90000047  }
0x50: {  	s0 =	sadd.s32 @!p0 $0x100000, s1;
	[bflag:$0x2] =	sbarrier.arrive $0xFFFF  }
0x51: {  	[sflag:s0] =	ssyncadd.tile.s32 @!p0 $0x1;
	_ =	shalt  }
.Lfunc_end1:
_tile_overlayer_lowered:
.L_overlay_start_2:
0x52: {  	(tag) =	ssettag $0x2  }
0x53: {  	s0 =	rddreg [dreg:$0x0];
	s2 =	stileid.u32  }
0x54: {  	s1 =	rddreg [dreg:$0x1];
	p0 =	sne.s32 s2, $0x0  }
0x55: {  	s3 =	rddreg [dreg:$0x2];
	[bflag:$0x3] =	sbarrier.arrive $0xFFFF;
	s2 =	simm.s32 @!p0 $0x1C01  }
0x56: {  	[timem:s3], [sflag:s2] =	dma.local @!p0 [hbm:s0], s1  }
0x57: {  	s0 =	simm.s32 @!p0 $0x1  }
0x58: {  	_ =	swait.ge @!p0 [sflag:s0], s1  }
0x59: {  	s1 =	ssub.s32 @!p0 $0x0, s1;
	[sflag:s0] =	ssyncset.done @!p0 $0x0  }
0x5a: {  	[sflag:s0] =	ssyncadd.s32 @!p0 s1  }
0x5b: {  	[bflag:$0x3] =	sbarrier.arrive $0xFFFF  }
0x5c: {  	_ =	shalt  }

</sc_bundles>
